<compile_context>
chip_gen: v7x
topology: tpu7x:2x2x1
jax: 0.10.2.dev20260603
libtpu: 0.0.44.dev20260713+nightly
codegen_flags: <defaults>
</compile_context>

<pallas_src>
import numpy as np
import jax
import jax.numpy as jnp
from jax.experimental import pallas as pl

_HID = 128
_NPATCH = 60
_NNODE = 960
_COUT = 132
_G = 256


def _build_idx4():
    ny, nx = np.meshgrid(np.arange(16), np.arange(60), indexing="ij")
    a = np.stack([nx // 4, ny // 4, nx, ny], axis=-1).astype(np.float32)
    return a.reshape(4, 4, 15, 4, 4)


def _fused(x_ref, w1_ref, b1_ref, w2_ref, b2_ref, idx_ref, out_ref, *, gb):
    x = x_ref[...]
    h = jnp.maximum(
        jnp.dot(x, w1_ref[...], preferred_element_type=jnp.float32)
        + b1_ref[...], 0.0)
    pv = (jnp.dot(h, w2_ref[...], preferred_element_type=jnp.float32)
          + b2_ref[...])
    pv = pv.reshape(gb, 15, 4, _HID).transpose(0, 2, 1, 3)
    t = jnp.broadcast_to(pv[:, :, None, :, None, :],
                         (gb, 4, 4, 15, 4, _HID))
    out_ref[..., : _HID] = t.reshape(gb, _NNODE, _HID)
    out_ref[..., _HID: _HID + 4] = jnp.broadcast_to(
        idx_ref[...].reshape(1, _NNODE, 4), (gb, _NNODE, 4))


def kernel(patch_vectors, W1, b1, W2, b2, Wg1, bg1, Wg2, bg2, mesh_edges):
    del Wg1, bg1, Wg2, bg2, mesh_edges
    gb = 16
    grid = _G // gb
    x = patch_vectors.reshape(_G * _NPATCH, 3)
    idx4 = jnp.asarray(_build_idx4())
    out6 = pl.pallas_call(
        lambda *refs: _fused(*refs, gb=gb),
        grid=(grid,),
        in_specs=[
            pl.BlockSpec((gb * _NPATCH, 3), lambda i: (i, 0)),
            pl.BlockSpec((3, _HID), lambda i: (0, 0)),
            pl.BlockSpec((1, _HID), lambda i: (0, 0)),
            pl.BlockSpec((_HID, _HID), lambda i: (0, 0)),
            pl.BlockSpec((1, _HID), lambda i: (0, 0)),
            pl.BlockSpec((4, 4, 15, 4, 4), lambda i: (0, 0, 0, 0, 0)),
        ],
        out_specs=pl.BlockSpec((gb, _NNODE, 256),
                               lambda i: (i, 0, 0)),
        out_shape=jax.ShapeDtypeStruct((_G, _NNODE, 256), jnp.float32),
    )(x, W1, b1.reshape(1, _HID), W2, b2.reshape(1, _HID), idx4)
    return out6[..., : _COUT]

# --- scband reference (transcript-rebuilt; emitter-appended) ---
"""Pipeline reference for scband-gnndecoder-32392643346859 (READ-ONLY COPY).

The authoritative reference and input builder live on the scoring server;
editing this copy changes nothing except your own understanding.
"""

import jax, jax.numpy as jnp
import numpy as np

NX_PATCH, NY_PATCH = 15, 4
NX_MESH, NY_MESH = 60, 16
PATCH_SIZE = 4
HID = 128
BS, SEQ = 16, 16
N_PATCH = NX_PATCH * NY_PATCH
N_NODES = NX_MESH * NY_MESH


def make_edge_idx(rows, cols):
    num_nodes = rows * cols
    nodes = np.arange(num_nodes)
    m = nodes % cols != cols - 1
    h = np.stack([nodes[m], nodes[m] + 1], axis=0)
    m2 = nodes < num_nodes - cols
    v = np.stack([nodes[m2], nodes[m2] + cols], axis=0)
    return np.concatenate([h, v], axis=1).astype(np.int32)


def patch_to_px(pv):
    bs, seq, Np, hd = pv.shape
    pv = pv.reshape(bs, seq, NX_PATCH, NY_PATCH, hd)
    pv = jnp.repeat(pv, PATCH_SIZE, axis=-3)
    pv = jnp.repeat(pv, PATCH_SIZE, axis=-2)
    nf = pv.reshape(bs, seq, NX_MESH, NY_MESH, hd)
    return jnp.swapaxes(nf, 2, 3)


def build_patch_idx():
    idx = np.arange(N_PATCH)
    pi = np.stack([idx // NY_PATCH, idx % NY_PATCH], axis=1).astype(np.float32)
    pi = jnp.asarray(pi.reshape(1, 1, N_PATCH, 2))
    return patch_to_px(pi)


def build_pixel_idx():
    a, b = np.meshgrid(np.arange(NY_MESH), np.arange(NX_MESH), indexing='ij')
    px = np.stack([b, a], axis=-1).astype(np.float32)
    return jnp.asarray(px.reshape(1, 1, NY_MESH, NX_MESH, 2))


def gcn_conv(x, src, dst, W, b, num_nodes):
    x = x @ W
    loop = jnp.arange(num_nodes, dtype=src.dtype)
    s = jnp.concatenate([src, loop])
    d = jnp.concatenate([dst, loop])
    deg = jax.ops.segment_sum(jnp.ones(s.shape, dtype=x.dtype), d, num_segments=num_nodes)
    dinv = jax.lax.rsqrt(jnp.maximum(deg, 1e-12))
    norm = dinv[s] * dinv[d]
    out = jax.ops.segment_sum(x[s] * norm[:, None], d, num_segments=num_nodes)
    return out + b


def setup_inputs(seed: int = 0):
    key = jax.random.key(seed)
    ks = jax.random.split(key, 10)
    inp = {}
    inp["patch_vectors"] = jax.random.normal(ks[0], (BS, SEQ * N_PATCH, 3), dtype=jnp.float32)
    inp["W1"] = jax.random.normal(ks[1], (3, HID), dtype=jnp.float32) * 0.3
    inp["b1"] = jnp.zeros((HID,), dtype=jnp.float32)
    inp["W2"] = jax.random.normal(ks[2], (HID, HID), dtype=jnp.float32) * (1.0 / np.sqrt(HID))
    inp["b2"] = jnp.zeros((HID,), dtype=jnp.float32)
    inp["Wg1"] = jax.random.normal(ks[3], (HID + 4, HID), dtype=jnp.float32) * (1.0 / np.sqrt(HID + 4))
    inp["bg1"] = jnp.zeros((HID,), dtype=jnp.float32)
    inp["Wg2"] = jax.random.normal(ks[4], (HID, 3), dtype=jnp.float32) * (1.0 / np.sqrt(HID))
    inp["bg2"] = jnp.zeros((3,), dtype=jnp.float32)
    inp["mesh_edges"] = jnp.asarray(make_edge_idx(NX_MESH, NY_MESH))
    return inp


def reference(patch_vectors, W1, b1, W2, b2, Wg1, bg1, Wg2, bg2, mesh_edges):
    bs, tot, _ = patch_vectors.shape
    seq = tot // N_PATCH
    h = jax.nn.relu(patch_vectors @ W1 + b1)
    pv = (h @ W2 + b2).reshape(bs, seq, N_PATCH, HID)
    nf = patch_to_px(pv)
    pi = jnp.broadcast_to(build_patch_idx(), (bs, seq, NY_MESH, NX_MESH, 2))
    px = jnp.broadcast_to(build_pixel_idx(), (bs, seq, NY_MESH, NX_MESH, 2))
    nf = jnp.concatenate([nf, pi, px], axis=-1)
    node_features = nf.reshape(bs * seq, N_NODES, HID + 4)
    G = bs * seq
    offs = jnp.arange(G, dtype=mesh_edges.dtype) * N_NODES
    ei = (mesh_edges[:, None, :] + offs[None, :, None]).reshape(2, -1)
    x = node_features.reshape(G * N_NODES, HID + 4)
    h1 = jax.nn.relu(gcn_conv(x, ei[0], ei[1], Wg1, bg1, G * N_NODES))
    preds = gcn_conv(h1, ei[0], ei[1], Wg2, bg2, G * N_NODES)
    preds = preds.reshape(bs, seq, NX_MESH, NY_MESH, 3)
    return node_features

if __name__ == "__main__":
    import jax
    _d = setup_inputs()
    print(jax.jit(kernel)(*tuple(_d.values())))

</pallas_src>

<mosaic_0001>
module attributes {stable_mosaic.version = 14 : i64} {
  func.func @_lambda_(%arg0: i32, %arg1: memref<960x3xf32, #tpu.memory_space<vmem>>, %arg2: memref<3x128xf32, #tpu.memory_space<vmem>>, %arg3: memref<1x128xf32, #tpu.memory_space<vmem>>, %arg4: memref<128x128xf32, #tpu.memory_space<vmem>>, %arg5: memref<1x128xf32, #tpu.memory_space<vmem>>, %arg6: memref<4x4x15x4x4xf32, #tpu.memory_space<vmem>>, %arg7: memref<16x960x256xf32, #tpu.memory_space<vmem>>) attributes {dimension_semantics = [#tpu.dimension_semantics<arbitrary>], iteration_bounds = array<i64: 16>, scalar_prefetch = 0 : i64, scratch_operands = 0 : i64, tpu.core_type = #tpu.core_type<tc>, window_params = [{transform_indices = @transform_0, window_bounds = array<i64: 960, 3>}, {pipeline_mode = #tpu.pipeline_mode<synchronous>, transform_indices = @transform_1, window_bounds = array<i64: 3, 128>}, {pipeline_mode = #tpu.pipeline_mode<synchronous>, transform_indices = @transform_2, window_bounds = array<i64: 1, 128>}, {pipeline_mode = #tpu.pipeline_mode<synchronous>, transform_indices = @transform_3, window_bounds = array<i64: 128, 128>}, {pipeline_mode = #tpu.pipeline_mode<synchronous>, transform_indices = @transform_4, window_bounds = array<i64: 1, 128>}, {pipeline_mode = #tpu.pipeline_mode<synchronous>, transform_indices = @transform_5, window_bounds = array<i64: 4, 4, 15, 4, 4>}, {transform_indices = @transform_6, window_bounds = array<i64: 16, 960, 256>}]} {
    %get3A = arith.constant 0 : index
    %get3A_0 = arith.constant 0 : index
    %get3A_1 = vector.load %arg1[%get3A, %get3A_0] : memref<960x3xf32, #tpu.memory_space<vmem>>, vector<960x3xf32>
    %get3A_2 = arith.constant 0 : index
    %get3A_3 = arith.constant 0 : index
    %get3A_4 = vector.load %arg2[%get3A_2, %get3A_3] : memref<3x128xf32, #tpu.memory_space<vmem>>, vector<3x128xf32>
    %dot_general3A = arith.constant dense<0.000000e+00> : vector<960x128xf32>
    %dot_general3A_5 = tpu.matmul %get3A_1, %get3A_4, %dot_general3A {dimension_numbers = #tpu.dot_dimension_numbers<[1], [0], [0], [1], [0, 0, 1, 1], [], []>, transpose_lhs_hint = false} : vector<960x3xf32>, vector<3x128xf32>, vector<960x128xf32> -> vector<960x128xf32>
    %get3A_6 = arith.constant 0 : index
    %get3A_7 = arith.constant 0 : index
    %get3A_8 = vector.load %arg3[%get3A_6, %get3A_7] : memref<1x128xf32, #tpu.memory_space<vmem>>, vector<1x128xf32>
    %add3A = vector.broadcast %get3A_8 : vector<1x128xf32> to vector<960x128xf32>
    %add3A_9 = arith.addf %dot_general3A_5, %add3A : vector<960x128xf32>
    %max3A = arith.constant 0.000000e+00 : f32
    %max3A_10 = vector.broadcast %max3A : f32 to vector<960x128xf32>
    %max3A_11 = arith.maximumf %add3A_9, %max3A_10 : vector<960x128xf32>
    %get3A_12 = arith.constant 0 : index
    %get3A_13 = arith.constant 0 : index
    %get3A_14 = vector.load %arg4[%get3A_12, %get3A_13] : memref<128x128xf32, #tpu.memory_space<vmem>>, vector<128x128xf32>
    %dot_general3A_15 = arith.constant dense<0.000000e+00> : vector<960x128xf32>
    %dot_general3A_16 = tpu.matmul %max3A_11, %get3A_14, %dot_general3A_15 {dimension_numbers = #tpu.dot_dimension_numbers<[1], [0], [0], [1], [0, 0, 1, 1], [], []>, transpose_lhs_hint = false} : vector<960x128xf32>, vector<128x128xf32>, vector<960x128xf32> -> vector<960x128xf32>
    %get3A_17 = arith.constant 0 : index
    %get3A_18 = arith.constant 0 : index
    %get3A_19 = vector.load %arg5[%get3A_17, %get3A_18] : memref<1x128xf32, #tpu.memory_space<vmem>>, vector<1x128xf32>
    %add3A_20 = vector.broadcast %get3A_19 : vector<1x128xf32> to vector<960x128xf32>
    %add3A_21 = arith.addf %dot_general3A_16, %add3A_20 : vector<960x128xf32>
    %reshape3A = vector.shape_cast %add3A_21 : vector<960x128xf32> to vector<16x15x4x128xf32>
    %transpose3A = tpu.transpose %reshape3A, [0, 2, 1, 3] : vector<16x15x4x128xf32> -> vector<16x4x15x128xf32>
    %broadcast_in_dim3A = vector.shape_cast %transpose3A : vector<16x4x15x128xf32> to vector<16x4x1x15x1x128xf32>
    %broadcast_in_dim3A_22 = vector.shape_cast %broadcast_in_dim3A : vector<16x4x1x15x1x128xf32> to vector<16x4x1x15x1x128xf32>
    %broadcast_in_dim3A_23 = vector.broadcast %broadcast_in_dim3A_22 : vector<16x4x1x15x1x128xf32> to vector<16x4x4x15x4x128xf32>
    %reshape3A_24 = vector.shape_cast %broadcast_in_dim3A_23 : vector<16x4x4x15x4x128xf32> to vector<16x960x128xf32>
    %swap3A = arith.constant 0 : index
    %swap3A_25 = arith.constant 0 : index
    %swap3A_26 = arith.constant 0 : index
    %swap3A_27 = vector.load %arg7[%swap3A, %swap3A_25, %swap3A_26] : memref<16x960x256xf32, #tpu.memory_space<vmem>>, vector<16x960x128xf32>
    tpu.vector_store %arg7[%swap3A, %swap3A_25, %swap3A_26], %reshape3A_24 {strides = array<i32>} : memref<16x960x256xf32, #tpu.memory_space<vmem>>, vector<16x960x128xf32>,
    %get3A_28 = arith.constant 0 : index
    %get3A_29 = arith.constant 0 : index
    %get3A_30 = arith.constant 0 : index
    %get3A_31 = arith.constant 0 : index
    %get3A_32 = arith.constant 0 : index
    %get3A_33 = vector.load %arg6[%get3A_28, %get3A_29, %get3A_30, %get3A_31, %get3A_32] : memref<4x4x15x4x4xf32, #tpu.memory_space<vmem>>, vector<4x4x15x4x4xf32>
    %reshape3A_34 = vector.shape_cast %get3A_33 : vector<4x4x15x4x4xf32> to vector<1x960x4xf32>
    %broadcast_in_dim3A_35 = vector.shape_cast %reshape3A_34 : vector<1x960x4xf32> to vector<1x960x4xf32>
    %broadcast_in_dim3A_36 = vector.broadcast %broadcast_in_dim3A_35 : vector<1x960x4xf32> to vector<16x960x4xf32>
    %swap3A_37 = arith.constant 0 : index
    %swap3A_38 = arith.constant 0 : index
    %swap3A_39 = arith.constant 128 : index
    %swap3A_40 = vector.load %arg7[%swap3A_37, %swap3A_38, %swap3A_39] : memref<16x960x256xf32, #tpu.memory_space<vmem>>, vector<16x960x4xf32>
    tpu.vector_store %arg7[%swap3A_37, %swap3A_38, %swap3A_39], %broadcast_in_dim3A_36 {strides = array<i32>} : memref<16x960x256xf32, #tpu.memory_space<vmem>>, vector<16x960x4xf32>,
    return
  }
  func.func @transform_0(%arg0: i32) -> (i32, i32) {
    %c0_i32 = arith.constant 0 : i32
    %c0_i32_0 = arith.constant 0 : i32
    return %arg0, %c0_i32 : i32, i32
  }
  func.func @transform_1(%arg0: i32) -> (i32, i32) {
    %c0_i32 = arith.constant 0 : i32
    %c0_i32_0 = arith.constant 0 : i32
    %c0_i32_1 = arith.constant 0 : i32
    return %c0_i32, %c0_i32_0 : i32, i32
  }
  func.func @transform_2(%arg0: i32) -> (i32, i32) {
    %c0_i32 = arith.constant 0 : i32
    %c0_i32_0 = arith.constant 0 : i32
    %c0_i32_1 = arith.constant 0 : i32
    return %c0_i32, %c0_i32_0 : i32, i32
  }
  func.func @transform_3(%arg0: i32) -> (i32, i32) {
    %c0_i32 = arith.constant 0 : i32
    %c0_i32_0 = arith.constant 0 : i32
    %c0_i32_1 = arith.constant 0 : i32
    return %c0_i32, %c0_i32_0 : i32, i32
  }
  func.func @transform_4(%arg0: i32) -> (i32, i32) {
    %c0_i32 = arith.constant 0 : i32
    %c0_i32_0 = arith.constant 0 : i32
    %c0_i32_1 = arith.constant 0 : i32
    return %c0_i32, %c0_i32_0 : i32, i32
  }
  func.func @transform_5(%arg0: i32) -> (i32, i32, i32, i32, i32) {
    %c0_i32 = arith.constant 0 : i32
    %c0_i32_0 = arith.constant 0 : i32
    %c0_i32_1 = arith.constant 0 : i32
    %c0_i32_2 = arith.constant 0 : i32
    %c0_i32_3 = arith.constant 0 : i32
    %c0_i32_4 = arith.constant 0 : i32
    return %c0_i32, %c0_i32_0, %c0_i32_1, %c0_i32_2, %c0_i32_3 : i32, i32, i32, i32, i32
  }
  func.func @transform_6(%arg0: i32) -> (i32, i32, i32) {
    %c0_i32 = arith.constant 0 : i32
    %c0_i32_0 = arith.constant 0 : i32
    %c0_i32_1 = arith.constant 0 : i32
    return %arg0, %c0_i32, %c0_i32_0 : i32, i32, i32
  }
}

</mosaic_0001>

<sc_bundles>
// kernel: sparse-core-data-format-call.cloned.1.call-start
scs
called_computation_lowered:
.L_overlay_start_0:
0x0: {  	s2 =	sld [smem:$0x3FD9]  }
0x1: {  	s3 =	sld [smem:$0x3FFE];
	_ =	sdelay $0x1  }
0x2: {  	s1 =	srdreg.scid  }
0x3: {  	s0 =	sand.u32 $0x1, s1  }
0x4: {  	s18 =	sshll.u32 s0, $0xA;
	s2 =	sadd.s32 s3, s2  }
0x5: {  	s2 =	sadd.s32 s2, s18  }
0x6: {  	[smem:$0x3FC3] =	sst s2  }
0x7: {  	_ = 	snop  }
0x8: {  	s2 =	sld [smem:$0x3FD0];
	(tm) =	ssettm $0x1  }
0x9: {  	s19 =	sld [smem:$0x3FFB];
	_ =	sdelay $0x3  }
0xa: {  	_ =	strace s19  }
0xb: {  	s3 =	sld [smem:$0x3FFC];
	_ =	sdelay $0x3  }
0xc: {  	_ =	strace s3  }
0xd: {  	s3 =	sld [smem:$0x3FFD];
	_ =	sdelay $0x3  }
0xe: {  	_ =	strace s3  }
0xf: {  	_ =	strace $0x8FFFFFFF  }
0x10: {  	s20 =	sld [smem:$0x3FDB];
	_ =	sdelay $0x1  }
0x11: {  	s4 =	simm.s32 $_scs_section_size  }
0x12: {  	s5 =	simm.s32 $_size__tile_overlayer_lowered;
	s6 =	simm.s32 $_tile_overlayer_lowered  }
0x13: {  	s23 =	simm.s32 $0x1BFF;
	s22 =	sshll.u32 s6, $0x1;
	s3 =	sadd.s32 s4, s20  }
0x14: {  	s7 =	simm.s32 $0x0;
	s21 =	sshll.u32 s5, $0x1;
	s5 =	sadd.s32 s22, s3  }
0x15: {  	[timem:s7], [sflag:s23] =	dma.local [hbm:s5], s21  }
0x16: {  	_ =	swait.ge [sflag:s23], s21  }
0x17: {  	s4 =	ssub.s32 $0x0, s21;
	[sflag:s23] =	ssyncset.done $0x0  }
0x18: {  	[sflag:s23] =	ssyncadd.s32 s4;
	_ =	sdelay $0x1  }
0x19: {  	s24 =	simm.s32 $0x1B8B  }
0x1a: {  	_ =	swait.ge [sflag:s24], $0x1  }
0x1b: {  	[sflag:s24] =	ssyncset.done $0x0  }
0x1c: {  	s26 =	simm.s32 $0x1B8E;
	s25 =	sld [smem:$0x3FFE];
	[sflag:s24] =	ssyncadd.s32 $0xFFFFFFFF  }
0x1d: {  	s27 =	simm.s32 $execute0_lowered;
	[smem:$0x3FD2] =	sst s26  }
0x1e: {  	s5 =	sshll.u32 s27, $0x1;
	_ =	strace $0x80000046;
	[dreg:$0x1] =	wrdreg $0xFFFFFFFF  }
0x1f: {  	s28 =	simm.s32 $_size_execute0_lowered;
	s3 =	sadd.s32 s3, s5;
	[dreg:$0x0] =	wrdreg $0x0  }
0x20: {  	s5 =	sshll.u32 s28, $0x1;
	[dreg:$0x2] =	wrdreg s3  }
0x21: {  	[dreg:$0x3] =	wrdreg s5  }
0x22: {  	[dreg:$0x4] =	wrdreg $0xC0  }
0x23: {  	_ =	task [dreg:s7], $0x5FFFF  }
0x24: {  	[dreg:$0x1] =	wrdreg $0xFFFFFFFF  }
0x25: {  	[dreg:$0x0] =	wrdreg $0x60  }
0x26: {  	[dreg:$0x2] =	wrdreg s25  }
0x27: {  	[dreg:$0x3] =	wrdreg s2  }
0x28: {  	[dreg:$0x4] =	wrdreg $0x9  }
0x29: {  	_ =	task.clear_ibuf [dreg:s7], $0x5FFFF;
	_ =	strace $0x90000046  }
0x2a: {  	s29 =	simm.s32 $0x9;
	_ =	strace $0x80000048  }
0x2b: {  	_ =	swait.ge [sflag:s29], $0x1  }
0x2c: {  	[sflag:s29] =	ssyncadd.s32 $0xFFFFFFFF  }
0x2d: {  	_ =	strace $0x90000048  }
0x2e: {  	_ =	sfence  }
0x2f: {  	s30 =	sld [smem:$0x0];
	_ =	sdelay $0x2  }
0x30: {  	s31 =	sshll.u32 s1, $0xD;
	s1 =	sshrl.u32 s1, $0x2  }
0x31: {  	s3 =	sand.u32 $0x4000, s31;
	s1 =	sadd.s32 s1, s30  }
0x32: {  	s0 =	sor.u32 s3, s0;
	s1 =	sshll.u32 s1, $0x11  }
0x33: {  	s0 =	sor.u32 s1, s0  }
0x34: {  	s0 =	sadd.s32 $0x8F2B, s0  }
0x35: {  	[sflag:s0] =	ssyncadd.remote.s32 $0x1  }
0x36: {  	_ =	sfence.sel $0xFFFF  }
0x37: {  	[dreg:$0x0] =	wrdreg $0xFFFFFFFF;
	(pc) =	sbr.abs _section_cstart, $3  }
0x38: {  	[dreg:$0x1] =	wrdreg $0xFFFFFFFF  }
0x39: {  	_ =	task.clear_ibuf [dreg:s7], $0x2FFFF;
	_ =	strace $0x9FFFFFFF  }
0x3a: {  	(tm) =	ssettm $0x7FFFFFFF  }
0x3b: {  	_ =	shalt  }
tec
execute0_lowered:
.L_overlay_start_1:
0x0: {  	(tag) =	ssettag $0x1  }
0x1: {  	s0 =	stileid.u32;
	s4 =	rddreg [dreg:$0x0]  }
0x2: {  	s2 =	rddreg [dreg:$0x1];
	s6 =	srdreg.scid  }
0x3: {  	s31 =	simm.s32 $0x2;
	s17 =	simm.s32 $0x0;
	p0 =	por $0x0, $0x0  }
0x4: {  	s9 =	simm.s32 $0x3C000;
	s19 =	simm.s32 $0x0;
	s18 =	simm.s32 $0x0  }
0x5: {  	s10 =	simm.s32 $0x0;
	s11 =	simm.s32 $0x0;
	s1 =	sshll.u32 s0, $0x7  }
0x6: {  	s12 =	simm.s32 $0x0;
	s13 =	simm.s32 $0x0;
	s3 =	sand.u32 $0x80, s1  }
0x7: {  	s16 =	simm.s32 $0x0;
	s6 =	sshll.u32 s6, $0x4;
	s5 =	ssub.s32 $0x100, s3  }
0x8: {  	s4 =	sadd.s32 $0xE00, s4;
	s1 =	rddreg [dreg:$0x2];
	s7 =	sshrl.u32 s5, $0x7  }
.Ltmp0:
0x9: {  	s5 =	sshrl.u32 s5, $0x8;
	s7 =	sand.u32 $0x1, s7;
	(pc) =	sbr.rel .LBB1_1-.Ltmp0, $4  }
0xa: {  	_ =	strace $0x80000047;
	s6 =	sand.u32 $0x10, s6;
	s7 =	sadd.s32 s5, s7  }
0xb: {  	s8 =	sor.u32 s0, s6;
	s5 =	simm.s32 $0x1;
	s6 =	smul.u32 $0x78, s7  }
0xc: {  	s15 =	smov.u32 s3;
	s7 =	sshrl.u32 s8, $0x1;
	[sflag:s5] =	ssyncpa.u1 $0x0  }
0xd: {  	[sflag:s31] =	ssyncpa.u1 $0x0;
	s14 =	smov.u32 s7;
	s8 =	sor.u32 $0x1, s6  }
.LBB1_4:
0xe: {  	s25 =	sshll.u32 s11, $0x8;
	s26 =	sshll.u32 s12, $0x3;
	s27 =	sshll.u32 s11, $0x7  }
0xf: {  	s24 =	sshra.s32 s24, $0x2;
	p1 =	sgt.s32 s10, $0x4;
	p2 =	sgt.s32 s11, $0x3BF  }
0x10: {  	s28 =	smov.u32 s11;
	s29 =	sshra.s32 s11, $0x1F;
	s31 =	sshra.s32 s10, $0x1F  }
0x11: {  	s25 =	sand.u32 $0xFFFFF800, s25;
	s26 =	sand.u32 $0xFFFFFC00, s26;
	s30 =	sand.u32 $0x300, s27  }
0x12: {  	s23 =	sadd.s32 s24, s23;
	s28 =	simm.s32 @!p2 $0x3BF;
	s29 =	sand.u32 s29, s11  }
0x13: {  	s31 =	sand.u32 s31, s10;
	s25 =	sadd.s32 s26, s25;
	s26 =	smov.u32 s10  }
0x14: {  	s28 =	ssub.s32 s28, s29;
	s29 =	smov.u32 s12;
	s25 =	sor.u32 s30, s25  }
0x15: {  	s26 =	simm.s32 @!p1 $0x4;
	p1 =	sgt.s32 s12, $0x80;
	s30 =	sshra.s32 s12, $0x1F  }
0x16: {  	v5 =	vld [tilespmem:s21+$0xFFFFFFD0];
	[tilespmem:s22+$0x2040 ss:$0x81] =	vst.msk $0xffff, v4;
	s27 =	sand.u32 $0x80, s27;
	s29 =	simm.s32 @!p1 $0x80;
	s30 =	sand.u32 s30, s12  }
0x17: {  	v58 =	vld [tilespmem:s21+$0xFFFFFFE0];
	[tilespmem:s22+$0x2850 ss:$0x81] =	vst.msk $0xffff, v3;
	s25 =	sshrl.u32 s25, $0x8;
	s29 =	ssub.s32 s29, s30;
	s30 =	sadd.s32 $0xFFFFFC41, s28  }
0x18: {  	v59 =	vld [tilespmem:s21+$0xFFFFFFF0];
	[tilespmem:s22+$0x3060 ss:$0x81] =	vst.msk $0xffff, v2;
	s26 =	ssub.s32 s26, s31;
	s24 =	smulhi.u32 $0x888889, s25;
	p1 =	sgt.s32 s30, $0x0  }
0x19: {  	[tilespmem:s22+$0x0 ss:$0x81] =	vst.msk $0xffff, v1;
	v60 =	vld [tilespmem:s21+$0x0];
	s31 =	sadd.s32 $0xFFFFFF80, s29;
	s29 =	ssub.s32 $0x100, s29;
	s30 =	sand.u32 $0x78, s12  }
0x1a: {  	v61 =	vld [tilespmem:s21+$0x10];
	[tilespmem:s23+$0x3870 ss:$0x81] =	vst.msk $0xffff, v0;
	s22 =	sshrl.u32 s24, $0x1;
	s24 =	ssub.s32 $0x3C0, s28;
	p2 =	sgt.s32 s31, $0x7F  }
0x1b: {  	v62 =	vld [tilespmem:s21+$0x20];
	[tilespmem:s23+$0x810 ss:$0x81] =	vst.msk $0xffff, v5;
	s31 =	sadd.s32 $0xFFFFFFFC, s26;
	s24 =	simm.s32 @p1 $0x0;
	s22 =	smul.u32 $0x3C0, s22  }
0x1c: {  	v63 =	vld [tilespmem:s21+$0xFFFFFFC0];
	[tilespmem:s23+$0x1020 ss:$0x81] =	vst.msk $0xffff, v58;
	p1 =	sgt.s32 s31, $0x7F;
	s29 =	simm.s32 @p2 $0x0;
	s31 =	smul.u32 $0x7800, s10  }
0x1d: {  	[tilespmem:s23+$0x1830 ss:$0x81] =	vst.msk $0xffff, v59;
	s26 =	ssub.s32 $0x84, s26;
	s21 =	sor.u32 s30, s27;
	s24 =	smul.u32 s29, s24  }
0x1e: {  	[tilespmem:s23+$0x2040 ss:$0x81] =	vst.msk $0xffff, v60;
	s28 =	sand.u32 $0x7, s12;
	s21 =	sshrl.u32 s21, $0x3;
	s26 =	simm.s32 @p1 $0x0  }
0x1f: {  	[tilespmem:s23+$0x2850 ss:$0x81] =	vst.msk $0xffff, v61;
	s22 =	ssub.s32 s25, s22;
	s27 =	sadd.s32 s2, s31;
	s24 =	smul.u32 s26, s24  }
0x20: {  	[tilespmem:s23+$0x3060 ss:$0x81] =	vst.msk $0xffff, v62;
	s29 =	sshll.u32 s28, $0x12;
	s22 =	sshll.u32 s22, $0x5;
	s21 =	sadd.s32 s21, s27  }
0x21: {  	[tilespmem:s23+$0x0 ss:$0x81] =	vst.msk $0xffff, v63;
	s31 =	sor.u32 $0x80, s29;
	s21 =	sadd.s32 s22, s21;
	s30 =	sand.u32 $0x3FFFFFFF, s24  }
0x22: {  	[hbm4b:s21+s31] =	stream.strided.scatter [tilespmem:s20], [sflag:$0x2], s30, s9, s31, $0x20;
	[tilespmem:$0x10100] =	vst v63  }
.LBB1_5:
0x23: {  	p1 =	slt.u32 s16, $0x2;
	s21 =	smov.u32 s19  }
0x24: {  	p2 =	sgt.s32 @!p1 s17, $0x4;
	s20 =	sshra.s32 @!p1 s17, $0x1F;
	p3 =	sgt.s32 @!p1 s19, $0x3BF  }
0x25: {  	s22 =	sshra.s32 @!p1 s19, $0x1F;
	p2 =	por !p2, p1;
	s20 =	sand.u32 @!p1 s20, s17  }
0x26: {  	p3 =	por !p3, p1;
	s19 =	sand.u32 @!p1 s22, s19;
	s22 =	sshra.s32 @!p1 s18, $0x1F  }
0x27: {  	s21 =	simm.s32 @p3 $0x3BF;
	p3 =	sgt.s32 @!p1 s18, $0x80;
	s17 =	simm.s32 @p2 $0x4  }
0x28: {  	s19 =	ssub.s32 @!p1 s21, s19;
	p3 =	por !p3, p1;
	s21 =	smov.u32 s18  }
0x29: {  	s18 =	sand.u32 @!p1 s22, s18;
	s17 =	ssub.s32 @!p1 s17, s20;
	s21 =	simm.s32 @p3 $0x80  }
0x2a: {  	s20 =	sadd.s32 @!p1 $0xFFFFFC41, s19;
	s19 =	ssub.s32 @!p1 $0x3C0, s19;
	s18 =	ssub.s32 @!p1 s21, s18  }
0x2b: {  	s21 =	sadd.s32 @!p1 $0xFFFFFFFC, s17;
	p2 =	sgt.s32 @!p1 s20, $0x0;
	s20 =	sadd.s32 @!p1 $0xFFFFFF80, s18  }
0x2c: {  	s17 =	ssub.s32 @!p1 $0x84, s17;
	p2 =	por !p2, p1;
	p3 =	sgt.s32 @!p1 s20, $0x7F  }
0x2d: {  	s18 =	ssub.s32 @!p1 $0x100, s18;
	s19 =	simm.s32 @!p2 $0x0;
	p2 =	por !p3, p1  }
0x2e: {  	s20 =	sadd.s32 $0x80, s13;
	p3 =	sgt.s32 @!p1 s21, $0x7F;
	s18 =	simm.s32 @!p2 $0x0  }
0x2f: {  	s21 =	smov.u32 s14;
	p2 =	por !p3, p1;
	s18 =	smul.u32 @!p1 s18, s19  }
0x30: {  	s17 =	simm.s32 @!p2 $0x0;
	p2 =	sgt.s32 s20, $0x83;
	s19 =	sadd.s32 $0x10, s14  }
0x31: {  	s22 =	smov.u32 s15;
	s21 =	smov.u32 @p2 s19  }
0x32: {  	s17 =	smul.u32 @!p1 s17, s18;
	p3 =	sgt.s32 s21, $0x3BF;
	s18 =	sadd.s32 $0x100, s15  }
0x33: {  	p0 =	por !p0, !p0;
	s23 =	simm.s32 @!p1 $0x2;
	s22 =	smov.u32 @p3 s18  }
0x34: {  	s20 =	simm.s32 @p2 $0x0;
	s19 =	smov.u32 s11;
	p2 =	sgt.s32 s22, $0xFF  }
0x35: {  	s11 =	smov.u32 s14;
	s22 =	smov.u32 @p2 s3;
	p2 =	sne.s32 s16, s8  }
.Ltmp1:
0x36: {  	s21 =	smov.u32 @p3 s7;
	s18 =	smov.u32 s12;
	(pc) =	sbr.rel @!p2 .LBB1_6-.Ltmp1, $4  }
0x37: {  	s12 =	smov.u32 s15;
	s17 =	sand.u32 @!p1 $0x3FFFFFFF, s17;
	s14 =	smov.u32 s21  }
0x38: {  	_ =	swait.ge @!p1 [sflag:s23], s17;
	s24 =	ssub.s32 @!p1 $0x0, s17;
	s17 =	smov.u32 s10  }
0x39: {  	s16 =	sadd.s32 $0x1, s16;
	s10 =	smov.u32 s13;
	[sflag:s23] =	ssyncset.done @!p1 $0x0  }
0x3a: {  	s13 =	smov.u32 s20;
	s15 =	smov.u32 s22;
	[sflag:s23] =	ssyncadd.s32 @!p1 s24  }
.LBB1_1:
0x3b: {  	p1 =	sge.u32 s16, s6  }
0x3c: {  	s20 =	sshll.u32 @!p1 s14, $0x8;
	s21 =	sshll.u32 @!p1 s13, $0x3  }
0x3d: {  	s22 =	sshll.u32 @!p1 s14, $0x7;
	s20 =	sand.u32 @!p1 $0xFFFFF800, s20;
	s21 =	sand.u32 @!p1 $0xFFFFFC00, s21  }
0x3e: {  	s20 =	sadd.s32 @!p1 s20, s21;
	s21 =	sand.u32 @!p1 $0x300, s22  }
0x3f: {  	s20 =	sor.u32 @!p1 s21, s20  }
0x40: {  	s20 =	sshrl.u32 @!p1 s20, $0x8  }
0x41: {  	s21 =	smulhi.u32 @!p1 $0x888889, s20  }
0x42: {  	s31 =	sadd.s32 $0xFFFFFFFF, s16;
	s23 =	sxor.u32 @!p1 $0xFFFFFFFF, s16  }
0x43: {  	s24 =	sand.u32 @!p1 $0x78, s13;
	s25 =	smul.u32 @!p1 $0x7800, s15;
	s21 =	sshrl.u32 @!p1 s21, $0x1  }
0x44: {  	s23 =	sshll.u32 @!p1 s23, $0xE;
	s22 =	sand.u32 @!p1 $0x80, s22;
	s21 =	smul.u32 @!p1 $0x3C0, s21  }
0x45: {  	s23 =	sand.u32 @!p1 $0x4000, s23;
	s22 =	sor.u32 @!p1 s24, s22;
	s24 =	sand.u32 @!p1 $0x7, s13  }
0x46: {  	s20 =	ssub.s32 @!p1 s20, s21;
	s21 =	sshrl.u32 @!p1 s22, $0x3;
	s22 =	sadd.s32 @!p1 s4, s25  }
0x47: {  	s20 =	sshll.u32 @!p1 s20, $0x5;
	s21 =	sadd.s32 @!p1 s21, s22;
	s22 =	sshll.u32 @!p1 s24, $0x12  }
0x48: {  	s20 =	sadd.s32 @!p1 s20, s21;
	s21 =	sor.u32 @!p1 $0x80, s22;
	s22 =	simm.s32 @!p1 $0x3C000  }
0x49: {  	[tilespmem:s23], [sflag:$0x1] =	stream.strided.gather @!p1 [hbm4b:s20+s21], $0x4000, s22, s21, $0x38;
	[tilespmem:$0x10100] =	vst v63  }
0x4a: {  	p1 =	sge.u32 s31, s6  }
.Ltmp2:
0x4b: {  	_ = 	snop;
	(pc) =	sbr.rel @p1 .LBB1_5-.Ltmp2, $1  }
0x4c: {  	_ =	sdelay $0x3  }
0x4d: {  	s20 =	simm.s32 $0x1  }
0x4e: {  	_ =	swait.ge [sflag:s5], $0x4000;
	s20 =	simm.s32 @!p0 $0x0  }
0x4f: {  	[sflag:s5] =	ssyncset.done $0x0;
	s21 =	sshll.u32 s20, $0xE  }
0x50: {  	[sflag:s5] =	ssyncadd.s32 $0xFFFFC000;
	s21 =	sor.u32 $0x40, s21  }
0x51: {  	s20 =	smul.u32 $0x10200, s20;
	v0 =	vld [tilespmem:s21+$0x30]  }
0x52: {  	v1 =	vld [tilespmem:s21+$0xFFFFFFD0]  }
0x53: {  	s20 =	sshrl.u32 s20, $0x2;
	v5 =	vld [tilespmem:s21+$0xFFFFFFE0]  }
0x54: {  	v6 =	vld [tilespmem:s21+$0xFFFFFFF0];
	s23 =	sor.u32 $0x8000, s20  }
0x55: {  	s31 =	sand.u32 $0x1, s16;
	v4 =	vld [tilespmem:s21+$0x0];
	s22 =	sadd.s32 $0x0, s23  }
0x56: {  	v3 =	vld [tilespmem:s21+$0x10];
	s20 =	smul.u32 $0x10200, s31;
	[tilespmem:s22+$0x3870 ss:$0x81] =	vst.msk $0xffff, v0  }
0x57: {  	v2 =	vld [tilespmem:s21+$0x20];
	[tilespmem:s22+$0x810 ss:$0x81] =	vst.msk $0xffff, v1  }
0x58: {  	s20 =	sshrl.u32 s20, $0x2;
	v1 =	vld [tilespmem:s21+$0xFFFFFFC0];
	[tilespmem:s22+$0x1020 ss:$0x81] =	vst.msk $0xffff, v5;
	s21 =	sadd.s32 $0x80, s21  }
0x59: {  	s24 =	simm.s32 $0x4;
	s25 =	simm.s32 $0x8;
	s20 =	sor.u32 $0x8000, s20;
	[tilespmem:s22+$0x1830 ss:$0x81] =	vst.msk $0xffff, v6;
	v0 =	vld [tilespmem:s21+$0x30]  }
.LBB1_3:
0x5a: {  	p1 =	sne.s32 s25, $0x1FC;
	v5 =	vld [tilespmem:s21+$0xFFFFFFD0];
	[tilespmem:s22+$0x2040 ss:$0x81] =	vst.msk $0xffff, v4  }
0x5b: {  	v6 =	vld [tilespmem:s21+$0xFFFFFFE0];
	[tilespmem:s22+$0x2850 ss:$0x81] =	vst.msk $0xffff, v3  }
0x5c: {  	s26 =	sshra.s32 s24, $0x2;
	s24 =	smov.u32 s25;
	v7 =	vld [tilespmem:s21+$0xFFFFFFF0];
	[tilespmem:s22+$0x3060 ss:$0x81] =	vst.msk $0xffff, v2  }
.Ltmp3:
0x5d: {  	v4 =	vld [tilespmem:s21+$0x0];
	[tilespmem:s22+$0x0 ss:$0x81] =	vst.msk $0xffff, v1;
	s22 =	sadd.s32 s26, s23;
	(pc) =	sbr.rel @p1 .LBB1_3-.Ltmp3, $4  }
0x5e: {  	v3 =	vld [tilespmem:s21+$0x10];
	[tilespmem:s22+$0x3870 ss:$0x81] =	vst.msk $0xffff, v0  }
0x5f: {  	[tilespmem:s22+$0x810 ss:$0x81] =	vst.msk $0xffff, v5;
	v2 =	vld [tilespmem:s21+$0x20]  }
0x60: {  	v1 =	vld [tilespmem:s21+$0xFFFFFFC0];
	[tilespmem:s22+$0x1020 ss:$0x81] =	vst.msk $0xffff, v6;
	s21 =	sadd.s32 $0x80, s21  }
0x61: {  	s25 =	sadd.s32 $0x4, s25;
	v0 =	vld [tilespmem:s21+$0x30];
	[tilespmem:s22+$0x1830 ss:$0x81] =	vst.msk $0xffff, v7  }
.Ltmp4:
0x62: {  	_ = 	snop;
	(pc) =	sbr.rel .LBB1_4-.Ltmp4, $1  }
0x63: {  	_ =	sdelay $0x3  }
.LBB1_6:
0x64: {  	_ =	sfence.sel $0x180000  }
0x65: {  	s2 =	simm.s32 $0x1;
	[bflag:$0x0] =	sbarrier.arrive $0xFFFF  }
0x66: {  	s31 =	simm.s32 $0x2;
	[sflag:s2] =	ssyncpa.u1 $0x1  }
0x67: {  	[sflag:s31] =	ssyncpa.u1 $0x1  }
0x68: {  	p0 =	sne.s32 s0, $0x0;
	_ =	strace $0x90000047  }
0x69: {  	s0 =	sadd.s32 @!p0 $0x100000, s1;
	[bflag:$0x2] =	sbarrier.arrive $0xFFFF  }
0x6a: {  	[sflag:s0] =	ssyncadd.tile.s32 @!p0 $0x1;
	_ =	shalt  }
.Lfunc_end1:
_tile_overlayer_lowered:
.L_overlay_start_2:
0x6b: {  	(tag) =	ssettag $0x2  }
0x6c: {  	s0 =	rddreg [dreg:$0x0];
	s2 =	stileid.u32  }
0x6d: {  	s1 =	rddreg [dreg:$0x1];
	p0 =	sne.s32 s2, $0x0  }
0x6e: {  	s3 =	rddreg [dreg:$0x2];
	[bflag:$0x3] =	sbarrier.arrive $0xFFFF;
	s2 =	simm.s32 @!p0 $0x1C01  }
0x6f: {  	[timem:s3], [sflag:s2] =	dma.local @!p0 [hbm:s0], s1  }
0x70: {  	s0 =	simm.s32 @!p0 $0x1  }
0x71: {  	_ =	swait.ge @!p0 [sflag:s0], s1  }
0x72: {  	s1 =	ssub.s32 @!p0 $0x0, s1;
	[sflag:s0] =	ssyncset.done @!p0 $0x0  }
0x73: {  	[sflag:s0] =	ssyncadd.s32 @!p0 s1  }
0x74: {  	[bflag:$0x3] =	sbarrier.arrive $0xFFFF  }
0x75: {  	_ =	shalt  }

</sc_bundles>
